<compile_context>
chip_gen: v7x
topology: tpu7x:2x2x1
jax: 0.10.2.dev20260603
libtpu: 0.0.44.dev20260713+nightly
codegen_flags: <defaults>
</compile_context>

<pallas_src>
import functools

import jax
import jax.numpy as jnp
from jax import lax
from jax.experimental import pallas as pl
from jax.experimental.pallas import tpu as pltpu
from jax.experimental.pallas import tpu_sc as plsc

B, NL, L, D, V = 16, 2, 2048, 1024, 320
LANES = 16
CHUNKS = L // LANES
LB = 1024
NBLK = L // LB


HALF = L // 2
HCHUNKS = HALF // LANES


def _sc_weights_body(vq_hbm, w_hbm, vq_v, counts_v, prob_v,
                     partner_v, shared_v):
    c = lax.axis_index("c")
    s = lax.axis_index("s")
    j = s // 2
    h = s % 2
    b = c * 8 + j

    pltpu.sync_copy(vq_hbm.at[b, pl.ds(h * L, L)], vq_v)

    iota = lax.iota(jnp.int32, LANES)
    ones_f = jnp.ones((LANES,), jnp.float32)
    zeros_f = jnp.zeros((LANES,), jnp.float32)

    def zbody(i, carry):
        counts_v[pl.ds(i * LANES, LANES)] = zeros_f
        return carry

    lax.fori_loop(0, (2 * V) // LANES, zbody, 0)

    def hbody(i, carry):
        rows = i * LANES + iota
        vx = plsc.load_gather(vq_v, [rows * 2])
        vy = plsc.load_gather(vq_v, [rows * 2 + 1])
        plsc.addupdate_scatter(counts_v, [vx], ones_f)
        plsc.addupdate_scatter(counts_v, [vy + V], ones_f)
        return carry

    lax.fori_loop(0, HCHUNKS, hbody, 0)

    pltpu.sync_copy(counts_v, shared_v.at[s])
    plsc.subcore_barrier()
    pltpu.sync_copy(shared_v.at[s + 1 - 2 * h], partner_v)

    def mbody(i, carry):
        sl = pl.ds(i * LANES, LANES)
        counts_v[sl] = counts_v[sl] + partner_v[sl]
        return carry

    lax.fori_loop(0, (2 * V) // LANES, mbody, 0)

    def pbody(i, acc):
        rows = i * LANES + iota
        vx = plsc.load_gather(vq_v, [rows * 2])
        vy = plsc.load_gather(vq_v, [rows * 2 + 1])
        fx = plsc.load_gather(counts_v, [vx])
        fy = plsc.load_gather(counts_v, [vy + V])
        p = ones_f / (fx + fy)
        prob_v[pl.ds(i * LANES, LANES)] = p
        return acc + p

    lax.fori_loop(0, HCHUNKS, pbody, zeros_f)
    pltpu.sync_copy(prob_v, w_hbm.at[b, h])


@functools.cache
def _sc_weights_kernel():
    return pl.kernel(
        _sc_weights_body,
        out_type=jax.ShapeDtypeStruct((B, NBLK, LB), jnp.float32),
        mesh=plsc.VectorSubcoreMesh(core_axis_name="c", subcore_axis_name="s"),
        scratch_types=[
            pltpu.VMEM((L,), jnp.int32),
            pltpu.VMEM((2 * V,), jnp.float32),
            pltpu.VMEM((HALF,), jnp.float32),
            pltpu.VMEM((2 * V,), jnp.float32),
            pltpu.VMEM_SHARED((16, 2 * V), jnp.float32),
        ],
        compiler_params=pltpu.CompilerParams(needs_layout_passes=False),
    )


def _nblk(lens, b):
    return (lens[b] + LB - 1) // LB


def _tc_pool_body(lens_ref, feat_ref, w_ref, out_ref, acc_ref):
    b = pl.program_id(0)
    l = pl.program_id(1)
    nblk_b = _nblk(lens_ref, b)

    @pl.when(jnp.logical_and(b == 0, l == 0))
    def _():
        out_ref[...] = jnp.zeros_like(out_ref)

    @pl.when(l == 0)
    def _():
        acc_ref[0] = 0.0

    @pl.when(l < nblk_b)
    def _():
        lmin = jnp.minimum(l, nblk_b - 1)
        f = feat_ref[0, 0]
        w = w_ref[b, lmin][None, :]
        pos = lmin * LB + jax.lax.broadcasted_iota(jnp.int32, (1, LB), 1)
        w = jnp.where(pos < lens_ref[b], w, 0.0)
        out_ref[0, pl.ds(b, 1), :] += jax.lax.dot(
            w.astype(jnp.bfloat16), f.astype(jnp.bfloat16),
            preferred_element_type=jnp.float32)
        acc_ref[0] += jnp.sum(w)

    @pl.when(l == NBLK - 1)
    def _():
        out_ref[0, pl.ds(b, 1), :] = out_ref[0, pl.ds(b, 1), :] / acc_ref[0]


def _tc_pool(input_lengths, input_feature, w):
    grid_spec = pltpu.PrefetchScalarGridSpec(
        num_scalar_prefetch=1,
        grid=(B, NBLK),
        in_specs=[
            pl.BlockSpec(
                (1, 1, LB, D),
                lambda b, l, lens: (
                    b, NL - 1, jnp.minimum(l, _nblk(lens, b) - 1), 0)),
            pl.BlockSpec(
                (B, NBLK, LB),
                lambda b, l, lens: (0, 0, 0)),
        ],
        out_specs=pl.BlockSpec((1, B, D), lambda b, l, lens: (0, 0, 0)),
        scratch_shapes=[pltpu.SMEM((1,), jnp.float32)],
    )
    out = pl.pallas_call(
        _tc_pool_body,
        grid_spec=grid_spec,
        out_shape=jax.ShapeDtypeStruct((1, B, D), jnp.float32),
        compiler_params=pltpu.CompilerParams(
            dimension_semantics=("arbitrary", "arbitrary")),
    )(input_lengths, input_feature, w)
    return out.reshape(B, D)


def kernel(input_feature, input_lengths, vq_indices):
    w = _sc_weights_kernel()(vq_indices.reshape(B, 2 * L))
    return _tc_pool(input_lengths, input_feature, w)

# --- scband reference (transcript-rebuilt; emitter-appended) ---
"""Pipeline reference for scband-vqlocal-prob-avg-pool-71829033058531 (READ-ONLY COPY).

The authoritative reference and input builder live on the scoring server;
editing this copy changes nothing except your own understanding.
"""

import jax, jax.numpy as jnp
import numpy as np

B, NL, L, D, V = 16, 2, 2048, 1024, 320


def setup_inputs(seed: int = 0) -> dict:
    key = jax.random.key(seed)
    k1, k2, k3 = jax.random.split(key, 3)
    input_feature = jax.random.normal(k1, (B, NL, L, D), dtype=jnp.float32)
    # lengths in [1, L] so every sample has at least one valid frame
    input_lengths = jax.random.randint(k2, (B,), 1, L + 1, dtype=jnp.int32)
    vq_indices = jax.random.randint(k3, (B, L, 2), 0, V, dtype=jnp.int32)
    return {
        "input_feature": input_feature,
        "input_lengths": input_lengths,
        "vq_indices": vq_indices,
    }


def reference(input_feature, input_lengths, vq_indices):
    # take last layer: (B, L, D)
    feat = input_feature[:, -1]
    vx = vq_indices[:, :, 0]  # (B, L)
    vy = vq_indices[:, :, 1]  # (B, L)
    bidx = jnp.broadcast_to(jnp.arange(B)[:, None], (B, L))
    # per-sample histogram of VQ codes over the FULL length L (matches Counter over tolist())
    counts_x = jnp.zeros((B, V), jnp.float32).at[bidx, vx].add(1.0)
    counts_y = jnp.zeros((B, V), jnp.float32).at[bidx, vy].add(1.0)
    # per-position frequency = freq_x + freq_y (gather from histogram)
    freq = jnp.take_along_axis(counts_x, vx, axis=1) + jnp.take_along_axis(counts_y, vy, axis=1)
    mask = (jnp.arange(L)[None, :] < input_lengths[:, None]).astype(jnp.float32)
    # prob = 1/freq on valid positions, 0 elsewhere; freq >= 2 always (counts include self)
    prob = mask / freq
    factor = prob / jnp.sum(prob, axis=1, keepdims=True)
    weights = factor * mask
    outputs = jnp.sum(feat * weights[:, :, None], axis=1)  # (B, D)
    return outputs

if __name__ == "__main__":
    import jax
    _d = setup_inputs()
    print(jax.jit(kernel)(*tuple(_d.values())))

</pallas_src>

<mosaic_0001>
#map = affine_map<(d0, d1) -> (0, 0)>
#map1 = affine_map<(d0, d1) -> (0, 0, 0)>
module attributes {stable_mosaic.version = 14 : i64} {
  func.func @_sc_weights_body(%arg0: i32, %arg1: i32, %arg2: memref<16x4096xi32, #tpu.memory_space<hbm>>, %arg3: memref<16x2x1024xf32, #tpu.memory_space<hbm>>, %arg4: memref<2048xi32, #tpu.memory_space<vmem>>, %arg5: memref<640xf32, #tpu.memory_space<vmem>>, %arg6: memref<1024xf32, #tpu.memory_space<vmem>>, %arg7: memref<640xf32, #tpu.memory_space<vmem>>, %arg8: memref<16x640xf32, #tpu.memory_space<vmem_shared>>) attributes {dimension_semantics = [#tpu.dimension_semantics<core_parallel>, #tpu.dimension_semantics<subcore_parallel>], iteration_bounds = array<i64: 2, 16>, scalar_prefetch = 0 : i64, scratch_operands = 5 : i64, tpu.core_type = #tpu.core_type<sc_vector_subcore>, window_params = [{transform_indices = #map}, {transform_indices = #map1}]} {
    %jit3A = arith.constant 2 : i32
    %div3A = arith.divsi %arg1, %jit3A : i32
    %sign3A = arith.constant 0 : i32
    %sign3A_0 = arith.cmpi sgt, %arg1, %sign3A : i32
    %sign3A_1 = arith.extui %sign3A_0 : i1 to i32
    %sign3A_2 = arith.constant 0 : i32
    %sign3A_3 = arith.cmpi slt, %arg1, %sign3A_2 : i32
    %sign3A_4 = arith.extui %sign3A_3 : i1 to i32
    %sign3A_5 = arith.subi %sign3A_1, %sign3A_4 : i32
    %sign3A_6 = arith.constant 0 : i32
    %sign3A_7 = arith.cmpi sgt, %jit3A, %sign3A_6 : i32
    %sign3A_8 = arith.extui %sign3A_7 : i1 to i32
    %sign3A_9 = arith.constant 0 : i32
    %sign3A_10 = arith.cmpi slt, %jit3A, %sign3A_9 : i32
    %sign3A_11 = arith.extui %sign3A_10 : i1 to i32
    %sign3A_12 = arith.subi %sign3A_8, %sign3A_11 : i32
    %ne3A = arith.cmpi ne, %sign3A_5, %sign3A_12 : i32
    %rem3A = arith.remsi %arg1, %jit3A : i32
    %ne3A_13 = arith.constant 0 : i32
    %ne3A_14 = arith.cmpi ne, %rem3A, %ne3A_13 : i32
    %and3A = arith.andi %ne3A, %ne3A_14 : i1
    %sub3A = arith.constant 1 : i32
    %sub3A_15 = arith.subi %div3A, %sub3A : i32
    %select_n3A = arith.select %and3A, %sub3A_15, %div3A : i32
    %jit3A_16 = arith.constant 2 : i32
    %eq3A = arith.constant 0 : i32
    %eq3A_17 = arith.cmpi eq, %jit3A_16, %eq3A : i32
    %jit3A_18 = arith.constant 1 : i32
    %select_n3A_19 = arith.select %eq3A_17, %jit3A_18, %jit3A_16 : i32
    %rem3A_20 = arith.remsi %arg1, %select_n3A_19 : i32
    %ne3A_21 = arith.constant 0 : i32
    %ne3A_22 = arith.cmpi ne, %rem3A_20, %ne3A_21 : i32
    %lt3A = arith.constant 0 : i32
    %lt3A_23 = arith.cmpi slt, %rem3A_20, %lt3A : i32
    %lt3A_24 = arith.constant 0 : i32
    %lt3A_25 = arith.cmpi slt, %select_n3A_19, %lt3A_24 : i32
    %ne3A_26 = arith.xori %lt3A_23, %lt3A_25 : i1
    %and3A_27 = arith.andi %ne3A_26, %ne3A_22 : i1
    %add3A = arith.addi %rem3A_20, %select_n3A_19 : i32
    %select_n3A_28 = arith.select %and3A_27, %add3A, %rem3A_20 : i32
    %mul3A = arith.constant 8 : i32
    %mul3A_29 = arith.muli %arg0, %mul3A : i32
    %add3A_30 = arith.addi %mul3A_29, %select_n3A : i32
    %mul3A_31 = arith.constant 2048 : i32
    %mul3A_32 = arith.muli %select_n3A_28, %mul3A_31 : i32
    "tpu.region"() ({
      %run_scoped3A = tpu.sem_alloc : memref<!tpu.dma_semaphore, #tpu.memory_space<semaphore_mem>>
      %dma_start3A = tpu.memref_slice %arg2[%add3A_30, %mul3A_32] : memref<16x4096xi32, #tpu.memory_space<hbm>> -> memref<1x2048xi32, #tpu.memory_space<hbm>>
      %dma_start3A_64 = tpu.memref_squeeze %dma_start3A : memref<1x2048xi32, #tpu.memory_space<hbm>> -> memref<2048xi32, #tpu.memory_space<hbm>>
      %dma_start3A_65 = tpu.memref_slice %arg2[%add3A_30, %mul3A_32] : memref<16x4096xi32, #tpu.memory_space<hbm>> -> memref<1x2048xi32, #tpu.memory_space<hbm>>
      %dma_start3A_66 = tpu.memref_squeeze %dma_start3A_65 : memref<1x2048xi32, #tpu.memory_space<hbm>> -> memref<2048xi32, #tpu.memory_space<hbm>>
      tpu.enqueue_dma source(%dma_start3A_66 : memref<2048xi32, #tpu.memory_space<hbm>>) target(%arg4 : memref<2048xi32, #tpu.memory_space<vmem>>) target_semaphore(%run_scoped3A : memref<!tpu.dma_semaphore, #tpu.memory_space<semaphore_mem>>)
      %dma_wait3A = tpu.memref_slice %arg2[%add3A_30, %mul3A_32] : memref<16x4096xi32, #tpu.memory_space<hbm>> -> memref<1x2048xi32, #tpu.memory_space<hbm>>
      %dma_wait3A_67 = tpu.memref_squeeze %dma_wait3A : memref<1x2048xi32, #tpu.memory_space<hbm>> -> memref<2048xi32, #tpu.memory_space<hbm>>
      %dma_wait3A_68 = tpu.memref_slice %arg2[%add3A_30, %mul3A_32] : memref<16x4096xi32, #tpu.memory_space<hbm>> -> memref<1x2048xi32, #tpu.memory_space<hbm>>
      %dma_wait3A_69 = tpu.memref_squeeze %dma_wait3A_68 : memref<1x2048xi32, #tpu.memory_space<hbm>> -> memref<2048xi32, #tpu.memory_space<hbm>>
      tpu.wait_dma2 semaphore(%run_scoped3A : memref<!tpu.dma_semaphore, #tpu.memory_space<semaphore_mem>>) src(%dma_wait3A_69 : memref<2048xi32, #tpu.memory_space<hbm>>) dst(%arg4 : memref<2048xi32, #tpu.memory_space<vmem>>)
      tpu.yield
    }) : () -> ()
    %iota3A = tpu.iota {dimensions = array<i32: 0>} : vector<16xi32>
    %broadcast_in_dim3A = arith.constant 1.000000e+00 : f32
    %broadcast_in_dim3A_33 = vector.broadcast %broadcast_in_dim3A : f32 to vector<16xf32>
    %broadcast_in_dim3A_34 = arith.constant 0.000000e+00 : f32
    %broadcast_in_dim3A_35 = vector.broadcast %broadcast_in_dim3A_34 : f32 to vector<16xf32>
    %scan3A = arith.constant 0 : i32
    %scan3A_36 = arith.constant 0 : i32
    %scan3A_37 = arith.constant 40 : i32
    %scan3A_38 = arith.addi %scan3A_36, %scan3A_37 : i32
    %scan3A_39 = arith.constant 1 : i32
    scf.for %scan3A_64 = %scan3A_36 to %scan3A_38 step %scan3A_39  : i32 {
      %mul3A_65 = arith.constant 16 : i32
      %mul3A_66 = arith.muli %scan3A_64, %mul3A_65 : i32
      %swap3A = arith.index_cast %mul3A_66 : i32 to index
      %swap3A_67 = tpu.vector_load %arg5[%swap3A] {strides = array<i32>} : memref<640xf32, #tpu.memory_space<vmem>>, vector<16xf32>,
      tpu.vector_store %arg5[%swap3A], %broadcast_in_dim3A_35 {strides = array<i32>} : memref<640xf32, #tpu.memory_space<vmem>>, vector<16xf32>,
    }
    %scan3A_40 = arith.constant 40 : i32
    %scan3A_41 = arith.constant 0 : i32
    %scan3A_42 = arith.constant 0 : i32
    %scan3A_43 = arith.constant 64 : i32
    %scan3A_44 = arith.addi %scan3A_42, %scan3A_43 : i32
    %scan3A_45 = arith.constant 1 : i32
    scf.for %scan3A_64 = %scan3A_42 to %scan3A_44 step %scan3A_45  : i32 {
      %mul3A_65 = arith.constant 16 : i32
      %mul3A_66 = arith.muli %scan3A_64, %mul3A_65 : i32
      %add3A_67 = vector.broadcast %mul3A_66 : i32 to vector<16xi32>
      %add3A_68 = arith.addi %add3A_67, %iota3A : vector<16xi32>
      %mul3A_69 = arith.constant 2 : i32
      %mul3A_70 = vector.broadcast %mul3A_69 : i32 to vector<16xi32>
      %mul3A_71 = arith.muli %add3A_68, %mul3A_70 : vector<16xi32>
      %gather3A = tpu.vector_load_idx %arg4[%mul3A_71] : memref<2048xi32, #tpu.memory_space<vmem>>[vector<16xi32>], vector<16xi32>,
      %mul3A_72 = arith.constant 2 : i32
      %mul3A_73 = vector.broadcast %mul3A_72 : i32 to vector<16xi32>
      %mul3A_74 = arith.muli %add3A_68, %mul3A_73 : vector<16xi32>
      %add3A_75 = arith.constant 1 : i32
      %add3A_76 = vector.broadcast %add3A_75 : i32 to vector<16xi32>
      %add3A_77 = arith.addi %mul3A_74, %add3A_76 : vector<16xi32>
      %gather3A_78 = tpu.vector_load_idx %arg4[%add3A_77] : memref<2048xi32, #tpu.memory_space<vmem>>[vector<16xi32>], vector<16xi32>,
      tpu.vector_store_idx %arg5[%gather3A], %broadcast_in_dim3A_33 {add = true} : memref<640xf32, #tpu.memory_space<vmem>>[vector<16xi32>], vector<16xf32>,
      %add3A_79 = arith.constant 320 : i32
      %add3A_80 = vector.broadcast %add3A_79 : i32 to vector<16xi32>
      %add3A_81 = arith.addi %gather3A_78, %add3A_80 : vector<16xi32>
      tpu.vector_store_idx %arg5[%add3A_81], %broadcast_in_dim3A_33 {add = true} : memref<640xf32, #tpu.memory_space<vmem>>[vector<16xi32>], vector<16xf32>,
    }
    %scan3A_46 = arith.constant 64 : i32
    "tpu.region"() ({
      %run_scoped3A = tpu.sem_alloc : memref<!tpu.dma_semaphore, #tpu.memory_space<semaphore_mem>>
      %dma_start3A = arith.constant 0 : i32
      %dma_start3A_64 = tpu.memref_slice %arg8[%arg1, %dma_start3A] : memref<16x640xf32, #tpu.memory_space<vmem_shared>> -> memref<1x640xf32, #tpu.memory_space<vmem_shared>>
      %dma_start3A_65 = tpu.memref_squeeze %dma_start3A_64 : memref<1x640xf32, #tpu.memory_space<vmem_shared>> -> memref<640xf32, #tpu.memory_space<vmem_shared>>
      %dma_start3A_66 = arith.constant 0 : i32
      %dma_start3A_67 = tpu.memref_slice %arg8[%arg1, %dma_start3A_66] : memref<16x640xf32, #tpu.memory_space<vmem_shared>> -> memref<1x640xf32, #tpu.memory_space<vmem_shared>>
      %dma_start3A_68 = tpu.memref_squeeze %dma_start3A_67 : memref<1x640xf32, #tpu.memory_space<vmem_shared>> -> memref<640xf32, #tpu.memory_space<vmem_shared>>
      tpu.enqueue_dma source(%arg5 : memref<640xf32, #tpu.memory_space<vmem>>) target(%dma_start3A_68 : memref<640xf32, #tpu.memory_space<vmem_shared>>) target_semaphore(%run_scoped3A : memref<!tpu.dma_semaphore, #tpu.memory_space<semaphore_mem>>)
      %dma_wait3A = arith.constant 0 : i32
      %dma_wait3A_69 = tpu.memref_slice %arg8[%arg1, %dma_wait3A] : memref<16x640xf32, #tpu.memory_space<vmem_shared>> -> memref<1x640xf32, #tpu.memory_space<vmem_shared>>
      %dma_wait3A_70 = tpu.memref_squeeze %dma_wait3A_69 : memref<1x640xf32, #tpu.memory_space<vmem_shared>> -> memref<640xf32, #tpu.memory_space<vmem_shared>>
      %dma_wait3A_71 = arith.constant 0 : i32
      %dma_wait3A_72 = tpu.memref_slice %arg8[%arg1, %dma_wait3A_71] : memref<16x640xf32, #tpu.memory_space<vmem_shared>> -> memref<1x640xf32, #tpu.memory_space<vmem_shared>>
      %dma_wait3A_73 = tpu.memref_squeeze %dma_wait3A_72 : memref<1x640xf32, #tpu.memory_space<vmem_shared>> -> memref<640xf32, #tpu.memory_space<vmem_shared>>
      tpu.wait_dma2 semaphore(%run_scoped3A : memref<!tpu.dma_semaphore, #tpu.memory_space<semaphore_mem>>) src(%arg5 : memref<640xf32, #tpu.memory_space<vmem>>) dst(%dma_wait3A_73 : memref<640xf32, #tpu.memory_space<vmem_shared>>)
      tpu.yield
    }) : () -> ()
    %barrier3A = arith.constant 0 : index
    tpu.barrier barrier_id(%barrier3A)
    %add3A_47 = arith.constant 1 : i32
    %add3A_48 = arith.addi %arg1, %add3A_47 : i32
    %mul3A_49 = arith.constant 2 : i32
    %mul3A_50 = arith.muli %mul3A_49, %select_n3A_28 : i32
    %sub3A_51 = arith.subi %add3A_48, %mul3A_50 : i32
    "tpu.region"() ({
      %run_scoped3A = tpu.sem_alloc : memref<!tpu.dma_semaphore, #tpu.memory_space<semaphore_mem>>
      %dma_start3A = arith.constant 0 : i32
      %dma_start3A_64 = tpu.memref_slice %arg8[%sub3A_51, %dma_start3A] : memref<16x640xf32, #tpu.memory_space<vmem_shared>> -> memref<1x640xf32, #tpu.memory_space<vmem_shared>>
      %dma_start3A_65 = tpu.memref_squeeze %dma_start3A_64 : memref<1x640xf32, #tpu.memory_space<vmem_shared>> -> memref<640xf32, #tpu.memory_space<vmem_shared>>
      %dma_start3A_66 = arith.constant 0 : i32
      %dma_start3A_67 = tpu.memref_slice %arg8[%sub3A_51, %dma_start3A_66] : memref<16x640xf32, #tpu.memory_space<vmem_shared>> -> memref<1x640xf32, #tpu.memory_space<vmem_shared>>
      %dma_start3A_68 = tpu.memref_squeeze %dma_start3A_67 : memref<1x640xf32, #tpu.memory_space<vmem_shared>> -> memref<640xf32, #tpu.memory_space<vmem_shared>>
      tpu.enqueue_dma source(%dma_start3A_68 : memref<640xf32, #tpu.memory_space<vmem_shared>>) target(%arg7 : memref<640xf32, #tpu.memory_space<vmem>>) target_semaphore(%run_scoped3A : memref<!tpu.dma_semaphore, #tpu.memory_space<semaphore_mem>>)
      %dma_wait3A = arith.constant 0 : i32
      %dma_wait3A_69 = tpu.memref_slice %arg8[%sub3A_51, %dma_wait3A] : memref<16x640xf32, #tpu.memory_space<vmem_shared>> -> memref<1x640xf32, #tpu.memory_space<vmem_shared>>
      %dma_wait3A_70 = tpu.memref_squeeze %dma_wait3A_69 : memref<1x640xf32, #tpu.memory_space<vmem_shared>> -> memref<640xf32, #tpu.memory_space<vmem_shared>>
      %dma_wait3A_71 = arith.constant 0 : i32
      %dma_wait3A_72 = tpu.memref_slice %arg8[%sub3A_51, %dma_wait3A_71] : memref<16x640xf32, #tpu.memory_space<vmem_shared>> -> memref<1x640xf32, #tpu.memory_space<vmem_shared>>
      %dma_wait3A_73 = tpu.memref_squeeze %dma_wait3A_72 : memref<1x640xf32, #tpu.memory_space<vmem_shared>> -> memref<640xf32, #tpu.memory_space<vmem_shared>>
      tpu.wait_dma2 semaphore(%run_scoped3A : memref<!tpu.dma_semaphore, #tpu.memory_space<semaphore_mem>>) src(%dma_wait3A_73 : memref<640xf32, #tpu.memory_space<vmem_shared>>) dst(%arg7 : memref<640xf32, #tpu.memory_space<vmem>>)
      tpu.yield
    }) : () -> ()
    %scan3A_52 = arith.constant 0 : i32
    %scan3A_53 = arith.constant 0 : i32
    %scan3A_54 = arith.constant 40 : i32
    %scan3A_55 = arith.addi %scan3A_53, %scan3A_54 : i32
    %scan3A_56 = arith.constant 1 : i32
    scf.for %scan3A_64 = %scan3A_53 to %scan3A_55 step %scan3A_56  : i32 {
      %mul3A_65 = arith.constant 16 : i32
      %mul3A_66 = arith.muli %scan3A_64, %mul3A_65 : i32
      %get3A = arith.index_cast %mul3A_66 : i32 to index
      %get3A_67 = tpu.vector_load %arg5[%get3A] {strides = array<i32>} : memref<640xf32, #tpu.memory_space<vmem>>, vector<16xf32>,
      %get3A_68 = arith.index_cast %mul3A_66 : i32 to index
      %get3A_69 = tpu.vector_load %arg7[%get3A_68] {strides = array<i32>} : memref<640xf32, #tpu.memory_space<vmem>>, vector<16xf32>,
      %add3A_70 = arith.addf %get3A_67, %get3A_69 : vector<16xf32>
      %swap3A = arith.index_cast %mul3A_66 : i32 to index
      %swap3A_71 = tpu.vector_load %arg5[%swap3A] {strides = array<i32>} : memref<640xf32, #tpu.memory_space<vmem>>, vector<16xf32>,
      tpu.vector_store %arg5[%swap3A], %add3A_70 {strides = array<i32>} : memref<640xf32, #tpu.memory_space<vmem>>, vector<16xf32>,
    }
    %scan3A_57 = arith.constant 40 : i32
    %scan3A_58 = arith.constant 0 : i32
    %scan3A_59 = arith.constant 64 : i32
    %scan3A_60 = arith.addi %scan3A_58, %scan3A_59 : i32
    %scan3A_61 = arith.constant 1 : i32
    %scan3A_62 = scf.for %scan3A_64 = %scan3A_58 to %scan3A_60 step %scan3A_61 iter_args(%scan3A_65 = %broadcast_in_dim3A_35) -> (vector<16xf32>)  : i32 {
      %mul3A_66 = arith.constant 16 : i32
      %mul3A_67 = arith.muli %scan3A_64, %mul3A_66 : i32
      %add3A_68 = vector.broadcast %mul3A_67 : i32 to vector<16xi32>
      %add3A_69 = arith.addi %add3A_68, %iota3A : vector<16xi32>
      %mul3A_70 = arith.constant 2 : i32
      %mul3A_71 = vector.broadcast %mul3A_70 : i32 to vector<16xi32>
      %mul3A_72 = arith.muli %add3A_69, %mul3A_71 : vector<16xi32>
      %gather3A = tpu.vector_load_idx %arg4[%mul3A_72] : memref<2048xi32, #tpu.memory_space<vmem>>[vector<16xi32>], vector<16xi32>,
      %mul3A_73 = arith.constant 2 : i32
      %mul3A_74 = vector.broadcast %mul3A_73 : i32 to vector<16xi32>
      %mul3A_75 = arith.muli %add3A_69, %mul3A_74 : vector<16xi32>
      %add3A_76 = arith.constant 1 : i32
      %add3A_77 = vector.broadcast %add3A_76 : i32 to vector<16xi32>
      %add3A_78 = arith.addi %mul3A_75, %add3A_77 : vector<16xi32>
      %gather3A_79 = tpu.vector_load_idx %arg4[%add3A_78] : memref<2048xi32, #tpu.memory_space<vmem>>[vector<16xi32>], vector<16xi32>,
      %gather3A_80 = tpu.vector_load_idx %arg5[%gather3A] : memref<640xf32, #tpu.memory_space<vmem>>[vector<16xi32>], vector<16xf32>,
      %add3A_81 = arith.constant 320 : i32
      %add3A_82 = vector.broadcast %add3A_81 : i32 to vector<16xi32>
      %add3A_83 = arith.addi %gather3A_79, %add3A_82 : vector<16xi32>
      %gather3A_84 = tpu.vector_load_idx %arg5[%add3A_83] : memref<640xf32, #tpu.memory_space<vmem>>[vector<16xi32>], vector<16xf32>,
      %add3A_85 = arith.addf %gather3A_80, %gather3A_84 : vector<16xf32>
      %div3A_86 = arith.divf %broadcast_in_dim3A_33, %add3A_85 : vector<16xf32>
      %mul3A_87 = arith.constant 16 : i32
      %mul3A_88 = arith.muli %scan3A_64, %mul3A_87 : i32
      %swap3A = arith.index_cast %mul3A_88 : i32 to index
      %swap3A_89 = tpu.vector_load %arg6[%swap3A] {strides = array<i32>} : memref<1024xf32, #tpu.memory_space<vmem>>, vector<16xf32>,
      tpu.vector_store %arg6[%swap3A], %div3A_86 {strides = array<i32>} : memref<1024xf32, #tpu.memory_space<vmem>>, vector<16xf32>,
      %add3A_90 = arith.addf %scan3A_65, %div3A_86 : vector<16xf32>
      scf.yield %add3A_90 : vector<16xf32>
    }
    %scan3A_63 = arith.constant 64 : i32
    "tpu.region"() ({
      %run_scoped3A = tpu.sem_alloc : memref<!tpu.dma_semaphore, #tpu.memory_space<semaphore_mem>>
      %dma_start3A = arith.constant 0 : i32
      %dma_start3A_64 = tpu.memref_slice %arg3[%add3A_30, %select_n3A_28, %dma_start3A] : memref<16x2x1024xf32, #tpu.memory_space<hbm>> -> memref<1x1x1024xf32, #tpu.memory_space<hbm>>
      %dma_start3A_65 = tpu.memref_squeeze %dma_start3A_64 : memref<1x1x1024xf32, #tpu.memory_space<hbm>> -> memref<1024xf32, #tpu.memory_space<hbm>>
      %dma_start3A_66 = arith.constant 0 : i32
      %dma_start3A_67 = tpu.memref_slice %arg3[%add3A_30, %select_n3A_28, %dma_start3A_66] : memref<16x2x1024xf32, #tpu.memory_space<hbm>> -> memref<1x1x1024xf32, #tpu.memory_space<hbm>>
      %dma_start3A_68 = tpu.memref_squeeze %dma_start3A_67 : memref<1x1x1024xf32, #tpu.memory_space<hbm>> -> memref<1024xf32, #tpu.memory_space<hbm>>
      tpu.enqueue_dma source(%arg6 : memref<1024xf32, #tpu.memory_space<vmem>>) target(%dma_start3A_68 : memref<1024xf32, #tpu.memory_space<hbm>>) target_semaphore(%run_scoped3A : memref<!tpu.dma_semaphore, #tpu.memory_space<semaphore_mem>>)
      %dma_wait3A = arith.constant 0 : i32
      %dma_wait3A_69 = tpu.memref_slice %arg3[%add3A_30, %select_n3A_28, %dma_wait3A] : memref<16x2x1024xf32, #tpu.memory_space<hbm>> -> memref<1x1x1024xf32, #tpu.memory_space<hbm>>
      %dma_wait3A_70 = tpu.memref_squeeze %dma_wait3A_69 : memref<1x1x1024xf32, #tpu.memory_space<hbm>> -> memref<1024xf32, #tpu.memory_space<hbm>>
      %dma_wait3A_71 = arith.constant 0 : i32
      %dma_wait3A_72 = tpu.memref_slice %arg3[%add3A_30, %select_n3A_28, %dma_wait3A_71] : memref<16x2x1024xf32, #tpu.memory_space<hbm>> -> memref<1x1x1024xf32, #tpu.memory_space<hbm>>
      %dma_wait3A_73 = tpu.memref_squeeze %dma_wait3A_72 : memref<1x1x1024xf32, #tpu.memory_space<hbm>> -> memref<1024xf32, #tpu.memory_space<hbm>>
      tpu.wait_dma2 semaphore(%run_scoped3A : memref<!tpu.dma_semaphore, #tpu.memory_space<semaphore_mem>>) src(%arg6 : memref<1024xf32, #tpu.memory_space<vmem>>) dst(%dma_wait3A_73 : memref<1024xf32, #tpu.memory_space<hbm>>)
      tpu.yield
    }) : () -> ()
    return
  }
}

module attributes {stable_mosaic.version = 14 : i64} {
  func.func @_tc_pool_body(%arg0: i32, %arg1: i32, %arg2: memref<16xi32, #tpu.memory_space<smem>>, %arg3: memref<1x1x1024x1024xf32, #tpu.memory_space<vmem>>, %arg4: memref<16x2x1024xf32, #tpu.memory_space<vmem>>, %arg5: memref<1x16x1024xf32, #tpu.memory_space<vmem>>, %arg6: memref<1xf32, #tpu.memory_space<smem>>) attributes {dimension_semantics = [#tpu.dimension_semantics<arbitrary>, #tpu.dimension_semantics<arbitrary>], iteration_bounds = array<i64: 16, 2>, scalar_prefetch = 1 : i64, scratch_operands = 1 : i64, tpu.core_type = #tpu.core_type<tc>, window_params = [{transform_indices = @transform_0, window_bounds = array<i64: 1, 1, 1024, 1024>}, {pipeline_mode = #tpu.pipeline_mode<synchronous>, transform_indices = @transform_1, window_bounds = array<i64: 16, 2, 1024>}, {pipeline_mode = #tpu.pipeline_mode<synchronous>, transform_indices = @transform_2, window_bounds = array<i64: 1, 16, 1024>}]} {
    %get3A = arith.index_cast %arg0 : i32 to index
    %get3A_0 = memref.load %arg2[%get3A] : memref<16xi32, #tpu.memory_space<smem>>
    %add3A = arith.constant 1024 : i32
    %add3A_1 = arith.addi %get3A_0, %add3A : i32
    %sub3A = arith.constant 1 : i32
    %sub3A_2 = arith.subi %add3A_1, %sub3A : i32
    %jit3A = arith.constant 1024 : i32
    %div3A = arith.divsi %sub3A_2, %jit3A : i32
    %sign3A = arith.constant 0 : i32
    %sign3A_3 = arith.cmpi sgt, %sub3A_2, %sign3A : i32
    %sign3A_4 = arith.extui %sign3A_3 : i1 to i32
    %sign3A_5 = arith.constant 0 : i32
    %sign3A_6 = arith.cmpi slt, %sub3A_2, %sign3A_5 : i32
    %sign3A_7 = arith.extui %sign3A_6 : i1 to i32
    %sign3A_8 = arith.subi %sign3A_4, %sign3A_7 : i32
    %sign3A_9 = arith.constant 0 : i32
    %sign3A_10 = arith.cmpi sgt, %jit3A, %sign3A_9 : i32
    %sign3A_11 = arith.extui %sign3A_10 : i1 to i32
    %sign3A_12 = arith.constant 0 : i32
    %sign3A_13 = arith.cmpi slt, %jit3A, %sign3A_12 : i32
    %sign3A_14 = arith.extui %sign3A_13 : i1 to i32
    %sign3A_15 = arith.subi %sign3A_11, %sign3A_14 : i32
    %ne3A = arith.cmpi ne, %sign3A_8, %sign3A_15 : i32
    %rem3A = arith.remsi %sub3A_2, %jit3A : i32
    %ne3A_16 = arith.constant 0 : i32
    %ne3A_17 = arith.cmpi ne, %rem3A, %ne3A_16 : i32
    %and3A = arith.andi %ne3A, %ne3A_17 : i1
    %sub3A_18 = arith.constant 1 : i32
    %sub3A_19 = arith.subi %div3A, %sub3A_18 : i32
    %select_n3A = arith.select %and3A, %sub3A_19, %div3A : i32
    %eq3A = arith.constant 0 : i32
    %eq3A_20 = arith.cmpi eq, %arg0, %eq3A : i32
    %eq3A_21 = arith.constant 0 : i32
    %eq3A_22 = arith.cmpi eq, %arg1, %eq3A_21 : i32
    %and3A_23 = arith.andi %eq3A_20, %eq3A_22 : i1
    %convert_element_type3A = arith.extui %and3A_23 : i1 to i32
    %cond3A = arith.constant 0 : i32
    %cond3A_24 = arith.cmpi ne, %convert_element_type3A, %cond3A : i32
    scf.if %cond3A_24 {
      %broadcast_in_dim3A = arith.constant 0.000000e+00 : f32
      %broadcast_in_dim3A_38 = vector.broadcast %broadcast_in_dim3A : f32 to vector<1x16x1024xf32>
      %swap3A = arith.constant 0 : index
      %swap3A_39 = arith.constant 0 : index
      %swap3A_40 = arith.constant 0 : index
      %swap3A_41 = vector.load %arg5[%swap3A, %swap3A_39, %swap3A_40] : memref<1x16x1024xf32, #tpu.memory_space<vmem>>, vector<1x16x1024xf32>
      tpu.vector_store %arg5[%swap3A, %swap3A_39, %swap3A_40], %broadcast_in_dim3A_38 {strides = array<i32>} : memref<1x16x1024xf32, #tpu.memory_space<vmem>>, vector<1x16x1024xf32>,
    } else {
    }
    %eq3A_25 = arith.constant 0 : i32
    %eq3A_26 = arith.cmpi eq, %arg1, %eq3A_25 : i32
    %convert_element_type3A_27 = arith.extui %eq3A_26 : i1 to i32
    %cond3A_28 = arith.constant 0 : i32
    %cond3A_29 = arith.cmpi ne, %convert_element_type3A_27, %cond3A_28 : i32
    scf.if %cond3A_29 {
      %swap3A = arith.constant 0.000000e+00 : f32
      %swap3A_38 = arith.constant 0 : index
      %swap3A_39 = memref.load %arg6[%swap3A_38] : memref<1xf32, #tpu.memory_space<smem>>
      memref.store %swap3A, %arg6[%swap3A_38] : memref<1xf32, #tpu.memory_space<smem>>
    } else {
    }
    %lt3A = arith.cmpi slt, %arg1, %select_n3A : i32
    %convert_element_type3A_30 = arith.extui %lt3A : i1 to i32
    %cond3A_31 = arith.constant 0 : i32
    %cond3A_32 = arith.cmpi ne, %convert_element_type3A_30, %cond3A_31 : i32
    scf.if %cond3A_32 {
      %sub3A_38 = arith.constant 1 : i32
      %sub3A_39 = arith.subi %select_n3A, %sub3A_38 : i32
      %min3A = arith.minsi %arg1, %sub3A_39 : i32
      %get3A_40 = arith.constant 0 : index
      %get3A_41 = arith.constant 0 : index
      %get3A_42 = arith.constant 0 : index
      %get3A_43 = arith.constant 0 : index
      %get3A_44 = vector.load %arg3[%get3A_40, %get3A_41, %get3A_42, %get3A_43] : memref<1x1x1024x1024xf32, #tpu.memory_space<vmem>>, vector<1x1x1024x1024xf32>
      %get3A_45 = vector.shape_cast %get3A_44 : vector<1x1x1024x1024xf32> to vector<1024x1024xf32>
      %get3A_46 = arith.index_cast %arg0 : i32 to index
      %get3A_47 = arith.index_cast %min3A : i32 to index
      %get3A_48 = arith.constant 0 : index
      %get3A_49 = vector.load %arg4[%get3A_46, %get3A_47, %get3A_48] : memref<16x2x1024xf32, #tpu.memory_space<vmem>>, vector<1x1x1024xf32>
      %get3A_50 = vector.shape_cast %get3A_49 : vector<1x1x1024xf32> to vector<1024xf32>
      %broadcast_in_dim3A = vector.shape_cast %get3A_50 : vector<1024xf32> to vector<1x1024xf32>
      %mul3A = arith.constant 1024 : i32
      %mul3A_51 = arith.muli %min3A, %mul3A : i32
      %iota3A = tpu.iota {dimensions = array<i32: 1>} : vector<1x1024xi32>
      %add3A_52 = vector.broadcast %mul3A_51 : i32 to vector<1x1024xi32>
      %add3A_53 = arith.addi %add3A_52, %iota3A : vector<1x1024xi32>
      %get3A_54 = arith.index_cast %arg0 : i32 to index
      %get3A_55 = memref.load %arg2[%get3A_54] : memref<16xi32, #tpu.memory_space<smem>>
      %lt3A_56 = vector.broadcast %get3A_55 : i32 to vector<1x1024xi32>
      %lt3A_57 = arith.cmpi slt, %add3A_53, %lt3A_56 : vector<1x1024xi32>
      %jit3A_58 = arith.constant 0.000000e+00 : f32
      %broadcast_in_dim3A_59 = vector.broadcast %jit3A_58 : f32 to vector<1x1024xf32>
      %select_n3A_60 = arith.select %lt3A_57, %broadcast_in_dim3A, %broadcast_in_dim3A_59 : vector<1x1024xi1>, vector<1x1024xf32>
      %get3A_61 = arith.constant 0 : index
      %get3A_62 = arith.index_cast %arg0 : i32 to index
      %get3A_63 = arith.constant 0 : index
      %get3A_64 = vector.load %arg5[%get3A_61, %get3A_62, %get3A_63] : memref<1x16x1024xf32, #tpu.memory_space<vmem>>, vector<1x1x1024xf32>
      %get3A_65 = vector.shape_cast %get3A_64 : vector<1x1x1024xf32> to vector<1x1024xf32>
      %convert_element_type3A_66 = arith.truncf %select_n3A_60 : vector<1x1024xf32> to vector<1x1024xbf16>
      %convert_element_type3A_67 = arith.truncf %get3A_45 : vector<1024x1024xf32> to vector<1024x1024xbf16>
      %dot_general3A = arith.constant dense<0.000000e+00> : vector<1x1024xf32>
      %dot_general3A_68 = tpu.matmul %convert_element_type3A_66, %convert_element_type3A_67, %dot_general3A {dimension_numbers = #tpu.dot_dimension_numbers<[1], [0], [0], [1], [0, 0, 1, 1], [], []>, transpose_lhs_hint = false} : vector<1x1024xbf16>, vector<1024x1024xbf16>, vector<1x1024xf32> -> vector<1x1024xf32>
      %add3A_69 = arith.addf %get3A_65, %dot_general3A_68 : vector<1x1024xf32>
      %swap3A = arith.constant 0 : index
      %swap3A_70 = arith.index_cast %arg0 : i32 to index
      %swap3A_71 = arith.constant 0 : index
      %swap3A_72 = vector.load %arg5[%swap3A, %swap3A_70, %swap3A_71] : memref<1x16x1024xf32, #tpu.memory_space<vmem>>, vector<1x1x1024xf32>
      %swap3A_73 = vector.shape_cast %swap3A_72 : vector<1x1x1024xf32> to vector<1x1024xf32>
      %swap3A_74 = vector.shape_cast %add3A_69 : vector<1x1024xf32> to vector<1x1x1024xf32>
      tpu.vector_store %arg5[%swap3A, %swap3A_70, %swap3A_71], %swap3A_74 {strides = array<i32>} : memref<1x16x1024xf32, #tpu.memory_space<vmem>>, vector<1x1x1024xf32>,
      %get3A_75 = arith.constant 0 : index
      %get3A_76 = memref.load %arg6[%get3A_75] : memref<1xf32, #tpu.memory_space<smem>>
      %reduce_sum3A = vector.shape_cast %select_n3A_60 : vector<1x1024xf32> to vector<1x1x1024xf32>
      %reduce_sum3A_77 = arith.constant dense<0.000000e+00> : vector<1xf32>
      %reduce_sum3A_78 = vector.multi_reduction <add>, %reduce_sum3A, %reduce_sum3A_77 [1, 2] : vector<1x1x1024xf32> to vector<1xf32>
      %reduce_sum3A_79 = vector.shape_cast %reduce_sum3A_78 : vector<1xf32> to vector<1x1x1xf32>
      %reduce_sum3A_80 = vector.extract %reduce_sum3A_79[0, 0, 0] : f32 from vector<1x1x1xf32>
      %add3A_81 = arith.addf %get3A_76, %reduce_sum3A_80 : f32
      %swap3A_82 = arith.constant 0 : index
      %swap3A_83 = memref.load %arg6[%swap3A_82] : memref<1xf32, #tpu.memory_space<smem>>
      memref.store %add3A_81, %arg6[%swap3A_82] : memref<1xf32, #tpu.memory_space<smem>>
    } else {
    }
    %eq3A_33 = arith.constant 1 : i32
    %eq3A_34 = arith.cmpi eq, %arg1, %eq3A_33 : i32
    %convert_element_type3A_35 = arith.extui %eq3A_34 : i1 to i32
    %cond3A_36 = arith.constant 0 : i32
    %cond3A_37 = arith.cmpi ne, %convert_element_type3A_35, %cond3A_36 : i32
    scf.if %cond3A_37 {
      %get3A_38 = arith.constant 0 : index
      %get3A_39 = arith.index_cast %arg0 : i32 to index
      %get3A_40 = arith.constant 0 : index
      %get3A_41 = vector.load %arg5[%get3A_38, %get3A_39, %get3A_40] : memref<1x16x1024xf32, #tpu.memory_space<vmem>>, vector<1x1x1024xf32>
      %get3A_42 = vector.shape_cast %get3A_41 : vector<1x1x1024xf32> to vector<1x1024xf32>
      %get3A_43 = arith.constant 0 : index
      %get3A_44 = memref.load %arg6[%get3A_43] : memref<1xf32, #tpu.memory_space<smem>>
      %div3A_45 = vector.broadcast %get3A_44 : f32 to vector<1x1024xf32>
      %div3A_46 = arith.divf %get3A_42, %div3A_45 : vector<1x1024xf32>
      %swap3A = arith.constant 0 : index
      %swap3A_47 = arith.index_cast %arg0 : i32 to index
      %swap3A_48 = arith.constant 0 : index
      %swap3A_49 = vector.load %arg5[%swap3A, %swap3A_47, %swap3A_48] : memref<1x16x1024xf32, #tpu.memory_space<vmem>>, vector<1x1x1024xf32>
      %swap3A_50 = vector.shape_cast %swap3A_49 : vector<1x1x1024xf32> to vector<1x1024xf32>
      %swap3A_51 = vector.shape_cast %div3A_46 : vector<1x1024xf32> to vector<1x1x1024xf32>
      tpu.vector_store %arg5[%swap3A, %swap3A_47, %swap3A_48], %swap3A_51 {strides = array<i32>} : memref<1x16x1024xf32, #tpu.memory_space<vmem>>, vector<1x1x1024xf32>,
    } else {
    }
    return
  }
  func.func @transform_0(%arg0: i32, %arg1: i32, %arg2: memref<16xi32, #tpu.memory_space<smem>>) -> (i32, i32, i32, i32) {
    %get3A = arith.index_cast %arg0 : i32 to index
    %get3A_0 = memref.load %arg2[%get3A] : memref<16xi32, #tpu.memory_space<smem>>
    %add3A = arith.constant 1024 : i32
    %add3A_1 = arith.addi %get3A_0, %add3A : i32
    %sub3A = arith.constant 1 : i32
    %sub3A_2 = arith.subi %add3A_1, %sub3A : i32
    %jit3A = arith.constant 1024 : i32
    %div3A = arith.divsi %sub3A_2, %jit3A : i32
    %sign3A = arith.constant 0 : i32
    %sign3A_3 = arith.cmpi sgt, %sub3A_2, %sign3A : i32
    %sign3A_4 = arith.extui %sign3A_3 : i1 to i32
    %sign3A_5 = arith.constant 0 : i32
    %sign3A_6 = arith.cmpi slt, %sub3A_2, %sign3A_5 : i32
    %sign3A_7 = arith.extui %sign3A_6 : i1 to i32
    %sign3A_8 = arith.subi %sign3A_4, %sign3A_7 : i32
    %sign3A_9 = arith.constant 0 : i32
    %sign3A_10 = arith.cmpi sgt, %jit3A, %sign3A_9 : i32
    %sign3A_11 = arith.extui %sign3A_10 : i1 to i32
    %sign3A_12 = arith.constant 0 : i32
    %sign3A_13 = arith.cmpi slt, %jit3A, %sign3A_12 : i32
    %sign3A_14 = arith.extui %sign3A_13 : i1 to i32
    %sign3A_15 = arith.subi %sign3A_11, %sign3A_14 : i32
    %ne3A = arith.cmpi ne, %sign3A_8, %sign3A_15 : i32
    %rem3A = arith.remsi %sub3A_2, %jit3A : i32
    %ne3A_16 = arith.constant 0 : i32
    %ne3A_17 = arith.cmpi ne, %rem3A, %ne3A_16 : i32
    %and3A = arith.andi %ne3A, %ne3A_17 : i1
    %sub3A_18 = arith.constant 1 : i32
    %sub3A_19 = arith.subi %div3A, %sub3A_18 : i32
    %select_n3A = arith.select %and3A, %sub3A_19, %div3A : i32
    %sub3A_20 = arith.constant 1 : i32
    %sub3A_21 = arith.subi %select_n3A, %sub3A_20 : i32
    %min3A = arith.minsi %arg1, %sub3A_21 : i32
    %c1_i32 = arith.constant 1 : i32
    %c0_i32 = arith.constant 0 : i32
    %c0_i32_22 = arith.constant 0 : i32
    return %arg0, %c1_i32, %min3A, %c0_i32 : i32, i32, i32, i32
  }
  func.func @transform_1(%arg0: i32, %arg1: i32, %arg2: memref<16xi32, #tpu.memory_space<smem>>) -> (i32, i32, i32) {
    %c0_i32 = arith.constant 0 : i32
    %c0_i32_0 = arith.constant 0 : i32
    %c0_i32_1 = arith.constant 0 : i32
    %c0_i32_2 = arith.constant 0 : i32
    return %c0_i32, %c0_i32_0, %c0_i32_1 : i32, i32, i32
  }
  func.func @transform_2(%arg0: i32, %arg1: i32, %arg2: memref<16xi32, #tpu.memory_space<smem>>) -> (i32, i32, i32) {
    %c0_i32 = arith.constant 0 : i32
    %c0_i32_0 = arith.constant 0 : i32
    %c0_i32_1 = arith.constant 0 : i32
    %c0_i32_2 = arith.constant 0 : i32
    return %c0_i32, %c0_i32_0, %c0_i32_1 : i32, i32, i32
  }
}

</mosaic_0001>

<sc_bundles>
// kernel: kernel.4.cloned.1.call-start
scs
__scs_entry_jumppad:
0x0: {  	(pc) =	sbr.rel $0x88, $3  }
0x1: {  	(tag) =	ssettag $0x0;
	lr =	simm.s32 $0x1  }
0x2: {  	[smem:$0x3F9E] =	sst lr;
	_ =	strace $0xD0000000  }
0x3: {  	_ = 	snop  }
0x4: {  	_ = 	snop  }
0x5: {  	_ = 	snop  }
0x6: {  	_ = 	snop  }
0x7: {  	_ = 	snop  }
__scs_overlays_trampoline_lowered:
0x8: {  	[smem:$0x3FAD] =	sst s0  }
0x9: {  	[smem:$0x3FAE] =	sst s1  }
0xa: {  	[smem:$0x3FAF] =	sst s2  }
0xb: {  	[smem:$0x3FB0] =	sst s3  }
0xc: {  	[smem:$0x3FB1] =	sst s4  }
0xd: {  	[smem:$0x3FB2] =	sst s5  }
0xe: {  	[smem:$0x3FB3] =	sst s6  }
0xf: {  	[smem:$0x3FB4] =	sst s7  }
0x10: {  	[smem:$0x3FB5] =	sst s8  }
0x11: {  	[smem:$0x3FB6] =	sst s9;
	s0 =	simm.s32 @!p0 $0x0  }
0x12: {  	s1 =	sld [smem:$0x3F9C];
	s0 =	simm.s32 @p0 $0x1  }
0x13: {  	[smem:$0x3FB7] =	sst s0;
	s0 =	simm.s32 @!p1 $0x0  }
0x14: {  	s2 =	sld [smem:$0x3F9B];
	s0 =	simm.s32 @p1 $0x1  }
0x15: {  	[smem:$0x3FB8] =	sst s0;
	s0 =	simm.s32 @!p2 $0x0  }
0x16: {  	s3 =	sld [smem:$0x3FDB];
	s0 =	simm.s32 @p2 $0x1  }
0x17: {  	s4 =	simm.s32 $0x1BF5;
	[smem:$0x3FBA] =	sst s0  }
0x18: {  	s0 =	sld [smem:$0x3F9D];
	_ =	swait.ge [sflag:s4], $0x0  }
0x19: {  	s7 =	sld [smem:$0x3F9E]  }
0x1a: {  	s8 =	sadd.s32 $0xFFFFE003, lr  }
0x1b: {  	s9 =	sadd.s32 $0xFFFFFEF7, lr;
	s5 =	simm.s32 $0xFFFFFFFF;
	p2 =	slt.u32 s8, $0xFFFFF086  }
0x1c: {  	p1 =	slt.u32 s9, $0xF7A;
	s5 =	simm.s32 @!p2 $0x0  }
0x1d: {  	s5 =	simm.s32 @p1 $0x1;
	p0 =	seq.s32 s7, s2  }
0x1e: {  	s7 =	smul.u32 @!p0 $0xF7A, s2;
	p2 =	seq.s32 @!p0 s5, $0x0  }
0x1f: {  	s9 =	smul.u32 $0xF7A, s1;
	s8 =	simm.s32 @!p0 $0x1BF5;
	p2 =	por !p2, p0  }
0x20: {  	[sflag:s8] =	ssyncset.s32 @!p0 $0xFFFFF086;
	s6 =	sadd.s32 @!p0 s3, s7;
	s7 =	simm.s32 @!p0 $0x108  }
0x21: {  	s3 =	sadd.s32 s3, s9;
	s6 =	sadd.s32 @!p0 $0x88, s6;
	s7 =	simm.s32 @p2 $0x1082  }
0x22: {  	[simem:s7], [sflag:s8] =	dma.local @!p0 [hbm:s6], $0xF7A  }
0x23: {  	s9 =	sor.u32 $0xD0000000, s2;
	s6 =	simm.s32 $0x108;
	_ =	swait.ge @!p0 [sflag:s8], $0x0  }
0x24: {  	s3 =	sadd.s32 $0x88, s3;
	s6 =	simm.s32 @!p1 $0x1082;
	[sflag:s4] =	ssyncset.s32 $0xFFFFF086  }
0x25: {  	[simem:s6], [sflag:s4] =	dma.local [hbm:s3], $0xF7A  }
0x26: {  	[smem:$0x3F9E] =	sst s1;
	(tag) =	ssettag s2;
	_ =	strace s9  }
0x27: {  	s1 =	sld [smem:$0x3FAE]  }
0x28: {  	s2 =	sld [smem:$0x3FAF]  }
0x29: {  	s4 =	sld [smem:$0x3FB1]  }
0x2a: {  	p0 =	seq.s32 s5, $0x0;
	s5 =	sld [smem:$0x3FB2]  }
0x2b: {  	s6 =	sld [smem:$0x3FB3]  }
0x2c: {  	s7 =	sld [smem:$0x3FB4]  }
0x2d: {  	s3 =	simm.s32 $0x108;
	s8 =	sld [smem:$0x3FB5]  }
0x2e: {  	s3 =	simm.s32 @!p0 $0x1082;
	s9 =	sld [smem:$0x3FB6]  }
0x2f: {  	lr =	sadd.s32 s0, s3;
	s0 =	sld [smem:$0x3FAD]  }
0x30: {  	s3 =	sld [smem:$0x3FB0]  }
0x31: {  	[smem:$0x3FB9] =	sst s10  }
0x32: {  	s10 =	sld [smem:$0x3FB7];
	_ =	sdelay $0x3  }
0x33: {  	p0 =	seq.s32 s10, $0x1;
	s10 =	sld [smem:$0x3FB9];
	_ =	sdelay $0x3  }
0x34: {  	[smem:$0x3FB9] =	sst s10  }
0x35: {  	s10 =	sld [smem:$0x3FB8];
	_ =	sdelay $0x3  }
0x36: {  	p1 =	seq.s32 s10, $0x1;
	s10 =	sld [smem:$0x3FB9];
	_ =	sdelay $0x3  }
0x37: {  	[smem:$0x3FB9] =	sst s10  }
0x38: {  	s10 =	sld [smem:$0x3FBA]  }
0x39: {  	_ = 	snop;
	(pc) =	sbr.ind lr, $3  }
0x3a: {  	_ = 	snop  }
0x3b: {  	_ = 	snop  }
0x3c: {  	p2 =	seq.s32 s10, $0x1;
	s10 =	sld [smem:$0x3FB9]  }
0x3d: {  	_ =	shalt  }
0x3e: {  	_ =	shalt  }
0x3f: {  	_ =	shalt  }
0x40: {  	_ =	shalt  }
0x41: {  	_ =	shalt  }
0x42: {  	_ =	shalt  }
0x43: {  	_ =	shalt  }
0x44: {  	_ =	shalt  }
0x45: {  	_ =	shalt  }
0x46: {  	_ =	shalt  }
0x47: {  	_ =	shalt  }
0x48: {  	_ =	shalt  }
0x49: {  	_ =	shalt  }
0x4a: {  	_ =	shalt  }
0x4b: {  	_ =	shalt  }
0x4c: {  	_ =	shalt  }
0x4d: {  	_ =	shalt  }
0x4e: {  	_ =	shalt  }
0x4f: {  	_ =	shalt  }
0x50: {  	_ =	shalt  }
0x51: {  	_ =	shalt  }
0x52: {  	_ =	shalt  }
0x53: {  	_ =	shalt  }
0x54: {  	_ =	shalt  }
0x55: {  	_ =	shalt  }
0x56: {  	_ =	shalt  }
0x57: {  	_ =	shalt  }
0x58: {  	_ =	shalt  }
0x59: {  	_ =	shalt  }
0x5a: {  	_ =	shalt  }
0x5b: {  	_ =	shalt  }
0x5c: {  	_ =	shalt  }
0x5d: {  	_ =	shalt  }
0x5e: {  	_ =	shalt  }
0x5f: {  	_ =	shalt  }
0x60: {  	_ =	shalt  }
0x61: {  	_ =	shalt  }
0x62: {  	_ =	shalt  }
0x63: {  	_ =	shalt  }
0x64: {  	_ =	shalt  }
0x65: {  	_ =	shalt  }
0x66: {  	_ =	shalt  }
0x67: {  	_ =	shalt  }
0x68: {  	_ =	shalt  }
0x69: {  	_ =	shalt  }
0x6a: {  	_ =	shalt  }
0x6b: {  	_ =	shalt  }
0x6c: {  	_ =	shalt  }
0x6d: {  	_ =	shalt  }
0x6e: {  	_ =	shalt  }
0x6f: {  	_ =	shalt  }
0x70: {  	_ =	shalt  }
0x71: {  	_ =	shalt  }
0x72: {  	_ =	shalt  }
0x73: {  	_ =	shalt  }
0x74: {  	_ =	shalt  }
0x75: {  	_ =	shalt  }
0x76: {  	_ =	shalt  }
0x77: {  	_ =	shalt  }
0x78: {  	_ =	shalt  }
0x79: {  	_ =	shalt  }
0x7a: {  	_ =	shalt  }
0x7b: {  	_ =	shalt  }
0x7c: {  	_ =	shalt  }
0x7d: {  	_ =	shalt  }
0x7e: {  	_ =	shalt  }
0x7f: {  	_ =	shalt  }
0x80: {  	_ =	shalt  }
0x81: {  	_ =	shalt  }
0x82: {  	_ =	shalt  }
0x83: {  	_ =	shalt  }
0x84: {  	_ =	shalt  }
0x85: {  	_ =	shalt  }
0x86: {  	_ =	shalt  }
0x87: {  	_ =	shalt  }
.Lfunc_end0:
.L_simem_size_0:
called_computation_lowered:
.L_overlay_start_0:
0x88: {  	s2 =	sld [smem:$0x3FD9]  }
0x89: {  	s3 =	sld [smem:$0x3FFE];
	_ =	sdelay $0x1  }
0x8a: {  	s1 =	srdreg.scid  }
0x8b: {  	s0 =	sand.u32 $0x1, s1  }
0x8c: {  	s16 =	sshll.u32 s0, $0xA;
	s2 =	sadd.s32 s3, s2  }
0x8d: {  	s2 =	sadd.s32 s2, s16  }
0x8e: {  	[smem:$0x3FC5] =	sst s2  }
0x8f: {  	_ = 	snop  }
0x90: {  	(tm) =	ssettm $0x1  }
0x91: {  	s17 =	sld [smem:$0x3FFB];
	_ =	sdelay $0x3  }
0x92: {  	_ =	strace s17  }
0x93: {  	s2 =	sld [smem:$0x3FFC];
	_ =	sdelay $0x3  }
0x94: {  	_ =	strace s2  }
0x95: {  	s2 =	sld [smem:$0x3FFD];
	_ =	sdelay $0x3  }
0x96: {  	_ =	strace s2  }
0x97: {  	_ =	strace $0x8FFFFFFF  }
0x98: {  	s18 =	sld [smem:$0x3FDB];
	_ =	sdelay $0x1  }
0x99: {  	s19 =	simm.s32 $_scs_section_size  }
0x9a: {  	s4 =	simm.s32 $_size__tile_overlayer_lowered;
	s5 =	simm.s32 $_tile_overlayer_lowered  }
0x9b: {  	s22 =	simm.s32 $0x1BFF;
	s21 =	sshll.u32 s5, $0x1;
	s2 =	sadd.s32 s19, s18  }
0x9c: {  	s6 =	simm.s32 $0x0;
	s20 =	sshll.u32 s4, $0x1;
	s4 =	sadd.s32 s21, s2  }
0x9d: {  	[timem:s6], [sflag:s22] =	dma.local [hbm:s4], s20  }
0x9e: {  	_ =	swait.ge [sflag:s22], s20  }
0x9f: {  	s3 =	ssub.s32 $0x0, s20;
	[sflag:s22] =	ssyncset.done $0x0  }
0xa0: {  	[sflag:s22] =	ssyncadd.s32 s3;
	_ =	sdelay $0x1  }
0xa1: {  	s23 =	simm.s32 $0x1B8B  }
0xa2: {  	_ =	swait.ge [sflag:s23], $0x1  }
0xa3: {  	[sflag:s23] =	ssyncset.done $0x0  }
0xa4: {  	s25 =	simm.s32 $0x1B8E;
	s24 =	sld [smem:$0x3FFE];
	[sflag:s23] =	ssyncadd.s32 $0xFFFFFFFF  }
0xa5: {  	s26 =	simm.s32 $execute0_lowered;
	[smem:$0x3FD2] =	sst s25  }
0xa6: {  	s4 =	sshll.u32 s26, $0x1;
	_ =	strace $0x80000046;
	[dreg:$0x1] =	wrdreg $0xFFFFFFFF  }
0xa7: {  	s28 =	simm.s32 $_size_execute0_lowered;
	s2 =	sadd.s32 s2, s4;
	[dreg:$0x0] =	wrdreg $0x0  }
0xa8: {  	s4 =	sshll.u32 s28, $0x1;
	[dreg:$0x2] =	wrdreg s2  }
0xa9: {  	[dreg:$0x3] =	wrdreg s4  }
0xaa: {  	[dreg:$0x4] =	wrdreg $0xC0  }
0xab: {  	_ =	task [dreg:s6], $0x5FFFF  }
0xac: {  	[dreg:$0x1] =	wrdreg $0xFFFFFFFF  }
0xad: {  	[dreg:$0x0] =	wrdreg $0x60  }
0xae: {  	[dreg:$0x2] =	wrdreg s24  }
0xaf: {  	[dreg:$0x3] =	wrdreg $0x11000  }
0xb0: {  	[dreg:$0x4] =	wrdreg $0x9  }
0xb1: {  	_ =	task.clear_ibuf [dreg:s6], $0x5FFFF;
	_ =	strace $0x90000046  }
0xb2: {  	s29 =	simm.s32 $0x9;
	_ =	strace $0x80000048  }
0xb3: {  	_ =	swait.ge [sflag:s29], $0x1  }
0xb4: {  	[sflag:s29] =	ssyncadd.s32 $0xFFFFFFFF  }
0xb5: {  	_ =	strace $0x90000048  }
0xb6: {  	_ =	sfence  }
0xb7: {  	s30 =	sld [smem:$0x0];
	_ =	sdelay $0x2  }
0xb8: {  	s31 =	sshll.u32 s1, $0xD;
	s1 =	sshrl.u32 s1, $0x2  }
0xb9: {  	s3 =	sand.u32 $0x4000, s31;
	s1 =	sadd.s32 s1, s30  }
0xba: {  	s0 =	sor.u32 s3, s0;
	s1 =	sshll.u32 s1, $0x11  }
0xbb: {  	s0 =	sor.u32 s1, s0  }
0xbc: {  	s0 =	sadd.s32 $0x8F2B, s0  }
0xbd: {  	[sflag:s0] =	ssyncadd.remote.s32 $0x1  }
0xbe: {  	_ =	sfence.sel $0xFFFF  }
0xbf: {  	[dreg:$0x0] =	wrdreg $0xFFFFFFFF;
	(pc) =	sbr.abs _section_cstart, $3  }
0xc0: {  	[dreg:$0x1] =	wrdreg $0xFFFFFFFF  }
0xc1: {  	_ =	task.clear_ibuf [dreg:s6], $0x2FFFF;
	_ =	strace $0x9FFFFFFF  }
0xc2: {  	(tm) =	ssettm $0x7FFFFFFF  }
0xc3: {  	_ =	shalt  }
tec
execute0_lowered:
.L_overlay_start_1:
0x0: {  	(tag) =	ssettag $0x1  }
0x1: {  	s2 =	rddreg [dreg:$0x0]  }
0x2: {  	s4 =	rddreg [dreg:$0x1]  }
0x3: {  	s0 =	rddreg [dreg:$0x2]  }
0x4: {  	s1 =	simm.s32 $0x0;
	s3 =	srdreg.scid;
	s13 =	simm.s32 $0x100  }
0x5: {  	s14 =	simm.s32 $0xA80;
	[smem:$0x7FF] =	sst s1;
	s3 =	sand.u32 $0x1, s3  }
0x6: {  	s15 =	simm.s32 $0x0;
	_ =	strace $0x80000047;
	s5 =	sshll.u32 s3, $0xC  }
0x7: {  	s6 =	sshll.u32 s3, $0xB;
	s3 =	ssub.s32 $0x2, s3;
	s5 =	sadd.s32 s5, s2  }
0x8: {  	s6 =	sadd.s32 s6, s2;
	s2 =	stileid.u32;
	s7 =	sshrl.u32 s3, $0x1  }
0x9: {  	s7 =	ssub.s32 s3, s7;
	s8 =	sshrl.u32 s2, $0x1;
	s9 =	sand.u32 $0x1, s2  }
0xa: {  	s26 =	sshrl.u32 s2, $0x3;
	s29 =	sshll.u32 s2, $0x7;
	s25 =	sshll.u32 s9, $0xB  }
0xb: {  	s10 =	sshll.u32 s8, $0x4;
	s11 =	sshll.u32 s9, $0x1;
	s8 =	sshll.u32 s8, $0x8  }
0xc: {  	s9 =	sshll.u32 s9, $0x4;
	s7 =	smax.u32 s7, $0x1;
	s3 =	sadd.s32 s25, s5  }
0xd: {  	s11 =	ssub.s32 s2, s11;
	s5 =	smul.u32 $0x5000, s26;
	s6 =	sadd.s32 s8, s6  }
0xe: {  	s8 =	simm.s32 $0x80;
	s3 =	sadd.s32 s10, s3;
	s28 =	sadd.s32 $0x1, s11  }
0xf: {  	s11 =	sand.u32 $0x380, s29;
	s6 =	sadd.s32 s9, s6;
	s12 =	sshrl.u32 s28, $0x3  }
0x10: {  	s9 =	simm.s32 $0x400;
	s3 =	sadd.s32 $0x800, s3;
	s12 =	smul.u32 $0x5000, s12  }
0x11: {  	s5 =	sshrl.u32 s5, $0x2;
	s10 =	sshll.u32 s28, $0x7;
	s6 =	sadd.s32 $0x2800, s6  }
0x12: {  	s5 =	sadd.s32 s5, s4;
	s30 =	sand.u32 $0x380, s10;
	s12 =	sshra.s32 s12, $0x2  }
0x13: {  	v1 =	vlaneseq.u32;
	s10 =	simm.s32 $0x1;
	s31 =	sadd.s32 s12, s4;
	s4 =	sadd.s32 s11, s5  }
0x14: {  	v0 =	vimm.f32 $0.0e+00;
	v2 =	vimm.f32 $1.000000000e+00;
	v1 =	vmul.u32 $0x2, v1;
	s11 =	simm.s32 $0x800;
	s12 =	simm.s32 $0xE80;
	s5 =	sadd.s32 s30, s31  }
.LBB2_1:
0x15: {  	[tilespmem:s1], [sflag:$0x1] =	stream.strided.gather [hbm4b:s3+s8], $0x800, s9, s8, $0x38;
	[tilespmem:$0x1380] =	vst v63  }
0x16: {  	_ =	swait.ge [sflag:s10], $0x800  }
0x17: {  	[sflag:s10] =	ssyncset.done $0x0  }
0x18: {  	[sflag:s10] =	ssyncadd.s32 $0xFFFFF800  }
0x19: {  	[tilespmem:$0x800] =	vst v0  }
0x1a: {  	[tilespmem:$0x810] =	vst v0  }
0x1b: {  	[tilespmem:$0x820] =	vst v0  }
0x1c: {  	[tilespmem:$0x830] =	vst v0  }
0x1d: {  	[tilespmem:$0x840] =	vst v0  }
0x1e: {  	[tilespmem:$0x850] =	vst v0  }
0x1f: {  	[tilespmem:$0x860] =	vst v0  }
0x20: {  	[tilespmem:$0x870] =	vst v0  }
0x21: {  	[tilespmem:$0x880] =	vst v0  }
0x22: {  	[tilespmem:$0x890] =	vst v0  }
0x23: {  	[tilespmem:$0x8A0] =	vst v0  }
0x24: {  	[tilespmem:$0x8B0] =	vst v0  }
0x25: {  	[tilespmem:$0x8C0] =	vst v0  }
0x26: {  	[tilespmem:$0x8D0] =	vst v0  }
0x27: {  	[tilespmem:$0x8E0] =	vst v0  }
0x28: {  	[tilespmem:$0x8F0] =	vst v0  }
0x29: {  	[tilespmem:$0x900] =	vst v0  }
0x2a: {  	[tilespmem:$0x910] =	vst v0  }
0x2b: {  	[tilespmem:$0x920] =	vst v0  }
0x2c: {  	[tilespmem:$0x930] =	vst v0  }
0x2d: {  	[tilespmem:$0x940] =	vst v0  }
0x2e: {  	[tilespmem:$0x950] =	vst v0  }
0x2f: {  	[tilespmem:$0x960] =	vst v0  }
0x30: {  	[tilespmem:$0x970] =	vst v0  }
0x31: {  	[tilespmem:$0x980] =	vst v0  }
0x32: {  	[tilespmem:$0x990] =	vst v0  }
0x33: {  	[tilespmem:$0x9A0] =	vst v0  }
0x34: {  	[tilespmem:$0x9B0] =	vst v0  }
0x35: {  	[tilespmem:$0x9C0] =	vst v0  }
0x36: {  	[tilespmem:$0x9D0] =	vst v0  }
0x37: {  	[tilespmem:$0x9E0] =	vst v0  }
0x38: {  	[tilespmem:$0x9F0] =	vst v0  }
0x39: {  	v3 =	vmov s1;
	[tilespmem:$0xA00] =	vst v0  }
0x3a: {  	v3 =	vshll.u32 v3, $0x1;
	[tilespmem:$0xA10] =	vst v0  }
0x3b: {  	v3 =	vor.u32 v1, v3;
	[tilespmem:$0xA20] =	vst v0  }
0x3c: {  	v4 =	vor.u32 $0x1, v3;
	[tilespmem:$0xA30] =	vst v0  }
0x3d: {  	[tilespmem:$0xA40] =	vst v0  }
0x3e: {  	[tilespmem:$0xA50] =	vst v0  }
0x3f: {  	[tilespmem:$0xA60] =	vst v0  }
0x40: {  	[tilespmem:$0xA70] =	vst v0  }
0x41: {  	v4 =	vld.idx.msk [tilespmem:v4+s1+$0x0], $0xffff  }
0x42: {  	v3 =	vld.idx.msk [tilespmem:v3+s1+$0x0], $0xffff  }
0x43: {  	s16 =	simm.s32 $0x10  }
0x44: {  	v5 =	vmov s16;
	s16 =	simm.s32 $0x20  }
.LBB2_2:
0x45: {  	p0 =	sne.s32 s16, $0x3F0;
	v5 =	vshll.u32 v5, $0x1  }
0x46: {  	v4 =	vadd.s32 $0x140, v4;
	v5 =	vor.u32 v1, v5  }
0x47: {  	v6 =	vor.u32 $0x1, v5;
	_ =	sdelay $0x2  }
0x48: {  	[tilespmem:v3+s11+$0x0] =	vst.idx.add.f32.msk $0xffff, v2  }
0x49: {  	[tilespmem:v4+s11+$0x0] =	vst.idx.add.f32.msk $0xffff, v2  }
.Ltmp0:
0x4a: {  	v4 =	vld.idx.msk [tilespmem:v6+s1+$0x0], $0xffff;
	(pc) =	sbr.rel @p0 .LBB2_2-.Ltmp0, $3  }
0x4b: {  	_ = 	snop  }
0x4c: {  	v3 =	vld.idx.msk [tilespmem:v5+s1+$0x0], $0xffff;
	_ =	sdelay $0x1  }
0x4d: {  	v5 =	vmov s16;
	s16 =	sadd.s32 $0x10, s16  }
0x4e: {  	_ = 	snop  }
0x4f: {  	v5 =	vshll.u32 v5, $0x1  }
0x50: {  	v4 =	vadd.s32 $0x140, v4;
	v5 =	vor.u32 v1, v5  }
0x51: {  	v6 =	vor.u32 $0x1, v5;
	_ =	sdelay $0x2  }
0x52: {  	[tilespmem:v3+s11+$0x0] =	vst.idx.add.f32.msk $0xffff, v2  }
0x53: {  	[tilespmem:v4+s11+$0x0] =	vst.idx.add.f32.msk $0xffff, v2  }
0x54: {  	v3 =	vld.idx.msk [tilespmem:v6+s1+$0x0], $0xffff  }
0x55: {  	v4 =	vld.idx.msk [tilespmem:v5+s1+$0x0], $0xffff;
	_ =	sdelay $0x3  }
0x56: {  	v3 =	vadd.s32 $0x140, v3;
	_ =	sdelay $0x3  }
0x57: {  	[tilespmem:v4+s11+$0x0] =	vst.idx.add.f32.msk $0xffff, v2  }
0x58: {  	[tilespmem:v3+s11+$0x0] =	vst.idx.add.f32.msk $0xffff, v2  }
0x59: {  	[spmem:s4] =	stream.strided.scatter [tilespmem:s11], [sflag:$0x1], $0x280, s9, s8, $0x38;
	[tilespmem:$0x1380] =	vst v63  }
0x5a: {  	_ =	swait.ge [sflag:s10], $0x280  }
0x5b: {  	[sflag:s10] =	ssyncset.done $0x0  }
0x5c: {  	[sflag:s10] =	ssyncadd.s32 $0xFFFFFD80  }
0x5d: {  	[bflag:$0x0] =	sbarrier.arrive $0xFFFF  }
0x5e: {  	[tilespmem:s12], [sflag:$0x1] =	stream.strided.gather [spmem:s5], $0x280, s9, s8, $0x38;
	[tilespmem:$0x1380] =	vst v63  }
0x5f: {  	_ =	swait.ge [sflag:s10], $0x280  }
0x60: {  	[sflag:s10] =	ssyncset.done $0x0  }
0x61: {  	s16 =	simm.s32 $0x0;
	[sflag:s10] =	ssyncadd.s32 $0xFFFFFD80  }
0x62: {  	s17 =	simm.s32 $0x0;
	s18 =	simm.s32 $0x40;
	v3 =	vld [tilespmem:s16+$0xE80]  }
.LBB2_4:
0x63: {  	p0 =	sne.s32 s18, $0x9C0;
	v4 =	vld [tilespmem:s16+$0x800];
	_ =	sdelay $0x2  }
.Ltmp1:
0x64: {  	(pc) =	sbr.rel @p0 .LBB2_4-.Ltmp1, $4  }
0x65: {  	_ = 	snop  }
0x66: {  	v4 =	vadd.f32 v3, v4  }
0x67: {  	s19 =	sshra.s32 s18, $0x2  }
0x68: {  	s18 =	sadd.s32 $0x40, s18;
	v3 =	vld [tilespmem:s19+$0xE80];
	[tilespmem:s16+$0x800] =	vst v4;
	s16 =	smov.u32 s19  }
0x69: {  	v4 =	vld [tilespmem:s16+$0x800];
	v5 =	vmov s17  }
0x6a: {  	v5 =	vshll.u32 v5, $0x1  }
0x6b: {  	v5 =	vor.u32 v1, v5  }
0x6c: {  	v6 =	vor.u32 $0x1, v5;
	_ =	sdelay $0x1  }
0x6d: {  	v3 =	vadd.f32 v3, v4;
	_ =	sdelay $0x1  }
0x6e: {  	[tilespmem:s16+$0x800] =	vst v3  }
0x6f: {  	v3 =	vld.idx.msk [tilespmem:v6+s1+$0x0], $0xffff  }
0x70: {  	v4 =	vld.idx.msk [tilespmem:v5+s1+$0x0], $0xffff;
	_ =	sdelay $0x3  }
0x71: {  	v3 =	vadd.s32 $0x140, v3;
	_ =	sdelay $0x3  }
0x72: {  	v4 =	vld.idx.msk [tilespmem:v4+s11+$0x0], $0xffff  }
0x73: {  	v3 =	vld.idx.msk [tilespmem:v3+s11+$0x0], $0xffff;
	_ =	sdelay $0x4  }
0x74: {  	v3 =	vadd.f32 v3, v4;
	_ =	sdelay $0x1  }
0x75: {  	(erf) = vrcp.f32 v3;
	_ =	sdelay $0x1  }
0x76: {  	s30 =	simm.s32 $0x10  }
0x77: {  	v3 =	vmov s30  }
0x78: {  	v3 =	vshll.u32 v3, $0x1  }
0x79: {  	v3 =	vor.u32 v1, v3  }
0x7a: {  	v4 =	vor.u32 $0x1, v3;
	_ =	sdelay $0x2  }
0x7b: {  	s16 =	simm.s32 $0xA80;
	v5 =	vpop (erf)  }
0x7c: {  	[tilespmem:s16+$0x0] =	vst v5  }
0x7d: {  	v4 =	vld.idx.msk [tilespmem:v4+s1+$0x0], $0xffff  }
0x7e: {  	v3 =	vld.idx.msk [tilespmem:v3+s1+$0x0], $0xffff;
	_ =	sdelay $0x3  }
0x7f: {  	v4 =	vadd.s32 $0x140, v4;
	_ =	sdelay $0x3  }
0x80: {  	v3 =	vld.idx.msk [tilespmem:v3+s11+$0x0], $0xffff  }
0x81: {  	v4 =	vld.idx.msk [tilespmem:v4+s11+$0x0], $0xffff;
	_ =	sdelay $0x4  }
0x82: {  	v3 =	vadd.f32 v4, v3;
	_ =	sdelay $0x1  }
0x83: {  	(erf) = vrcp.f32 v3;
	_ =	sdelay $0x1  }
0x84: {  	s31 =	simm.s32 $0x20  }
0x85: {  	s17 =	simm.s32 $0x30;
	v3 =	vmov s31  }
.LBB2_6:
0x86: {  	p0 =	sne.s32 s17, $0x3F0;
	v3 =	vshll.u32 v3, $0x1  }
0x87: {  	v3 =	vor.u32 v1, v3  }
0x88: {  	v4 =	vor.u32 $0x1, v3;
	_ =	sdelay $0x2  }
0x89: {  	s16 =	sadd.s32 $0x10, s16;
	v5 =	vpop (erf)  }
0x8a: {  	[tilespmem:s16+$0x0] =	vst v5  }
0x8b: {  	v4 =	vld.idx.msk [tilespmem:v4+s1+$0x0], $0xffff;
	_ =	sdelay $0x1  }
0x8c: {  	v3 =	vld.idx.msk [tilespmem:v3+s1+$0x0], $0xffff;
	_ =	sdelay $0x3  }
0x8d: {  	v4 =	vadd.s32 $0x140, v4;
	_ =	sdelay $0x3  }
0x8e: {  	v3 =	vld.idx.msk [tilespmem:v3+s11+$0x0], $0xffff  }
0x8f: {  	v4 =	vld.idx.msk [tilespmem:v4+s11+$0x0], $0xffff;
	_ =	sdelay $0x5  }
0x90: {  	v3 =	vadd.f32 v4, v3  }
.Ltmp2:
0x91: {  	(pc) =	sbr.rel @p0 .LBB2_6-.Ltmp2, $2  }
0x92: {  	(erf) = vrcp.f32 v3;
	_ =	sdelay $0x2  }
0x93: {  	v3 =	vmov s17;
	s17 =	sadd.s32 $0x10, s17  }
0x94: {  	v3 =	vshll.u32 v3, $0x1  }
0x95: {  	v3 =	vor.u32 v1, v3  }
0x96: {  	v4 =	vor.u32 $0x1, v3;
	_ =	sdelay $0x2  }
0x97: {  	s16 =	sadd.s32 $0x10, s16;
	v5 =	vpop (erf)  }
0x98: {  	[tilespmem:s16+$0x0] =	vst v5  }
0x99: {  	v4 =	vld.idx.msk [tilespmem:v4+s1+$0x0], $0xffff  }
0x9a: {  	v3 =	vld.idx.msk [tilespmem:v3+s1+$0x0], $0xffff;
	_ =	sdelay $0x3  }
0x9b: {  	v4 =	vadd.s32 $0x140, v4;
	_ =	sdelay $0x3  }
0x9c: {  	v3 =	vld.idx.msk [tilespmem:v3+s11+$0x0], $0xffff  }
0x9d: {  	v4 =	vld.idx.msk [tilespmem:v4+s11+$0x0], $0xffff;
	_ =	sdelay $0x4  }
0x9e: {  	v3 =	vadd.f32 v4, v3;
	_ =	sdelay $0x1  }
0x9f: {  	(erf) = vrcp.f32 v3;
	_ =	sdelay $0x7  }
0xa0: {  	s15 =	sadd.s32 $0x1, s15  }
0xa1: {  	p0 =	sne.s32 s15, s7;
	s16 =	sadd.s32 $0x10, s16;
	v3 =	vpop (erf)  }
.Ltmp3:
0xa2: {  	[tilespmem:s16+$0x0] =	vst v3;
	(pc) =	sbr.rel @p0 .LBB2_1-.Ltmp3, $4  }
0xa3: {  	[hbm4b:s6+s8] =	stream.strided.scatter [tilespmem:s14], [sflag:$0x1], $0x400, s13, s8, $0x38;
	[tilespmem:$0x1380] =	vst v63  }
0xa4: {  	_ =	swait.ge [sflag:s10], $0x400  }
0xa5: {  	[sflag:s10] =	ssyncset.done $0x0  }
0xa6: {  	[sflag:s10] =	ssyncadd.s32 $0xFFFFFC00  }
0xa7: {  	_ =	sfence.sel $0x180000  }
0xa8: {  	[bflag:$0x0] =	sbarrier.arrive $0xFFFF  }
0xa9: {  	p0 =	sne.s32 s2, $0x0;
	_ =	strace $0x90000047  }
0xaa: {  	s0 =	sadd.s32 @!p0 $0x100000, s0;
	[bflag:$0x2] =	sbarrier.arrive $0xFFFF  }
0xab: {  	[sflag:s0] =	ssyncadd.tile.s32 @!p0 $0x1;
	_ =	shalt  }
.Lfunc_end2:
_tile_overlayer_lowered:
.L_overlay_start_2:
0xac: {  	(tag) =	ssettag $0x2  }
0xad: {  	s0 =	rddreg [dreg:$0x0];
	s2 =	stileid.u32  }
0xae: {  	s1 =	rddreg [dreg:$0x1];
	p0 =	sne.s32 s2, $0x0  }
0xaf: {  	s3 =	rddreg [dreg:$0x2];
	[bflag:$0x3] =	sbarrier.arrive $0xFFFF;
	s2 =	simm.s32 @!p0 $0x1C01  }
0xb0: {  	[timem:s3], [sflag:s2] =	dma.local @!p0 [hbm:s0], s1  }
0xb1: {  	s0 =	simm.s32 @!p0 $0x1  }
0xb2: {  	_ =	swait.ge @!p0 [sflag:s0], s1  }
0xb3: {  	s1 =	ssub.s32 @!p0 $0x0, s1;
	[sflag:s0] =	ssyncset.done @!p0 $0x0  }
0xb4: {  	[sflag:s0] =	ssyncadd.s32 @!p0 s1  }
0xb5: {  	[bflag:$0x3] =	sbarrier.arrive $0xFFFF  }
0xb6: {  	_ =	shalt  }

</sc_bundles>
